<compile_context>
chip_gen: v7x
topology: tpu7x:2x2x1
jax: 0.10.2.dev20260603
libtpu: 0.0.44.dev20260713+nightly
codegen_flags: <defaults>
</compile_context>

<pallas_src>
import functools
import math

import jax
import jax.numpy as jnp
from jax import lax
from jax.experimental import pallas as pl
from jax.experimental.pallas import tpu as pltpu
from jax.experimental.pallas import tpu_sc as plsc

_ZS = (1, 6, 7, 8, 9)
_CUTOFF = 4.0
_LXLYLZ = (
    (0, 0, 0),
    (1, 0, 0), (0, 1, 0), (0, 0, 1),
    (2, 0, 0), (1, 1, 0), (1, 0, 1), (0, 2, 0), (0, 1, 1), (0, 0, 2),
)
_L_OF = tuple(lx + ly + lz for (lx, ly, lz) in _LXLYLZ)
_NANG = len(_LXLYLZ)
_NRBF = 8
_NRA = _NRBF * _NANG
_NB = 12
_NAB = 4

_BE = 2048
_CH = 128
_TILES = 16
_NSC = 2


def _edge_feat_kernel(dux_ref, fr_ref, lx_ref, ly_ref, lz_ref, out_ref):
    d = dux_ref[:, 0:1]
    ux = dux_ref[:, 1:2]
    uy = dux_ref[:, 2:3]
    uz = dux_ref[:, 3:4]
    fr = fr_ref[...]
    lx = lx_ref[...]
    ly = ly_ref[...]
    lz = lz_ref[...]
    r = d * (1.0 / _CUTOFF)
    r2 = r * r
    r4 = r2 * r2
    r5 = r4 * r
    r6 = r5 * r
    r7 = r6 * r
    cut = 1.0 - 21.0 * r5 + 35.0 * r6 - 15.0 * r7
    cut = jnp.where(d < _CUTOFF, cut, 0.0)
    env = (math.sqrt(2.0 / _CUTOFF) * cut) / d
    rad = jnp.sin(d * fr) * env
    x = jnp.where(lx == 0.0, 1.0, jnp.where(lx == 1.0, ux, ux * ux))
    y = jnp.where(ly == 0.0, 1.0, jnp.where(ly == 1.0, uy, uy * uy))
    z = jnp.where(lz == 0.0, 1.0, jnp.where(lz == 1.0, uz, uz * uz))
    out_ref[...] = rad * (x * y * z)


def _make_sc_idx(e_pad, n_nodes):
    pt = e_pad // (_TILES * _NSC)
    nch = pt // _CH
    trash = n_nodes * 5

    mesh = plsc.VectorSubcoreMesh(core_axis_name="c", subcore_axis_name="s")

    @functools.partial(
        pl.kernel,
        out_type=jax.ShapeDtypeStruct((_TILES * _NSC, e_pad // (_TILES * _NSC)),
                                      jnp.int32),
        mesh=mesh,
        compiler_params=pltpu.CompilerParams(needs_layout_passes=False),
        scratch_types=[
            pltpu.VMEM((n_nodes,), jnp.int32),
            pltpu.VMEM((pt,), jnp.int32),
            pltpu.VMEM((pt,), jnp.int32),
            pltpu.VMEM((pt,), jnp.int32),
        ],
    )
    def sc_idx(send_hbm, recv_hbm, z_hbm, out_hbm, atb, recvb, idxb, sendb):
        c = lax.axis_index("c")
        s = lax.axis_index("s")
        wid = s * _NSC + c
        ebase = wid * pt
        lane = lax.iota(jnp.int32, 16)

        pltpu.sync_copy(z_hbm, atb)
        pltpu.sync_copy(recv_hbm.at[pl.ds(ebase, pt)], recvb)
        pltpu.sync_copy(send_hbm.at[pl.ds(ebase, pt)], sendb)

        @pl.loop(0, pt // 16)
        def _(k):
            sv = sendb[pl.ds(k * 16, 16)]
            zv = plsc.load_gather(atb, [sv])
            g = jnp.where(zv == 1, 0,
                jnp.where(zv == 6, 1,
                jnp.where(zv == 7, 2,
                jnp.where(zv == 8, 3, 4))))
            rv = recvb[pl.ds(k * 16, 16)]
            ok = (rv >= 0) & (rv < n_nodes)
            idx = jnp.where(ok, rv * 5 + g, trash + lane)
            idxb[pl.ds(k * 16, 16)] = idx

        pltpu.sync_copy(idxb, out_hbm.at[wid])
        return None

    return sc_idx


_ACC_ROWS = 50048


def _accum_kernel(idx_ref, g_ref, acc_ref):
    @pl.when(pl.program_id(0) == 0)
    def _():
        acc_ref[...] = jnp.zeros_like(acc_ref)

    def body(e, carry):
        row = idx_ref[0, 0, e]
        acc_ref[pl.ds(row, 1), :] = (acc_ref[pl.ds(row, 1), :]
                                     + g_ref[pl.ds(e, 1), :])
        return carry
    lax.fori_loop(0, g_ref.shape[0], body, 0, unroll=4)


def _node_kernel(k_ref, w_ref, z_ref, pat_ref, out_ref):
    kk = k_ref[...]
    w = w_ref[...]
    u = jnp.dot(kk, w, preferred_element_type=jnp.float32)
    z = z_ref[...]
    pat = pat_ref[...]
    er = jnp.zeros_like(u)
    for gi, zval in enumerate(_ZS):
        m = (z == zval).astype(jnp.float32)
        er = er + m * pat[gi:gi + 1, :]
    out_ref[...] = u * er


def kernel(atomic_numbers, edge_index, dij, uij, positions,
           W_sender, W_receiver, bessel_freqs, radial_weights):
    n_nodes = positions.shape[0]
    n_edges = edge_index.shape[1]

    fr80 = jnp.repeat(bessel_freqs.astype(jnp.float32), _NANG)[None, :]
    lx80 = jnp.tile(jnp.array([t[0] for t in _LXLYLZ], jnp.float32), _NRBF)[None, :]
    ly80 = jnp.tile(jnp.array([t[1] for t in _LXLYLZ], jnp.float32), _NRBF)[None, :]
    lz80 = jnp.tile(jnp.array([t[2] for t in _LXLYLZ], jnp.float32), _NRBF)[None, :]

    wper = radial_weights[jnp.array(_L_OF)]
    wperc = wper.reshape(_NANG, _NRBF, _NB, _NAB, _NAB)
    t6 = jnp.einsum('gi,arbij->grabij', W_sender.astype(jnp.float32), wperc)
    eye = jnp.eye(_NANG, dtype=jnp.float32)
    b7 = t6[:, :, None] * eye[None, None, :, :, None, None, None]
    bigw = b7.reshape(5 * _NRBF * _NANG, _NANG * _NB * _NAB * _NAB)
    pat = jnp.broadcast_to(
        W_receiver.astype(jnp.float32)[:, None, None, None, :],
        (5, _NANG, _NB, _NAB, _NAB)).reshape(5, 1920)

    chunk = _TILES * _CH
    e_pad = ((n_edges + chunk - 1) // chunk) * chunk
    pad = e_pad - n_edges
    d_p = jnp.concatenate([dij.astype(jnp.float32), jnp.ones((pad,), jnp.float32)])
    u_p = jnp.concatenate([uij.astype(jnp.float32), jnp.zeros((pad, 3), jnp.float32)])
    dux = jnp.concatenate([d_p[:, None], u_p], axis=1)
    send = jnp.concatenate([edge_index[0].astype(jnp.int32),
                            jnp.zeros((pad,), jnp.int32)])
    recv = jnp.concatenate([edge_index[1].astype(jnp.int32),
                            jnp.full((pad,), jnp.int32(2 ** 30))])
    zarr = atomic_numbers.astype(jnp.int32)

    g_edges = pl.pallas_call(
        _edge_feat_kernel,
        grid=(e_pad // _BE,),
        in_specs=[
            pl.BlockSpec((_BE, 4), lambda i: (i, 0)),
            pl.BlockSpec((1, _NRA), lambda i: (0, 0)),
            pl.BlockSpec((1, _NRA), lambda i: (0, 0)),
            pl.BlockSpec((1, _NRA), lambda i: (0, 0)),
            pl.BlockSpec((1, _NRA), lambda i: (0, 0)),
        ],
        out_specs=pl.BlockSpec((_BE, _NRA), lambda i: (i, 0)),
        out_shape=jax.ShapeDtypeStruct((e_pad, _NRA), jnp.float32),
    )(dux, fr80, lx80, ly80, lz80)

    sc_idx = _make_sc_idx(e_pad, n_nodes)
    idx = sc_idx(send, recv, zarr).reshape(e_pad)

    bbe = 2048
    idx3 = idx.reshape(e_pad // bbe, 1, bbe)
    acc = pl.pallas_call(
        _accum_kernel,
        grid=(e_pad // bbe,),
        in_specs=[
            pl.BlockSpec((1, 1, bbe), lambda i: (i, 0, 0),
                         memory_space=pltpu.SMEM),
            pl.BlockSpec((bbe, _NRA), lambda i: (i, 0)),
        ],
        out_specs=pl.BlockSpec((_ACC_ROWS, _NRA), lambda i: (0, 0)),
        out_shape=jax.ShapeDtypeStruct((_ACC_ROWS, _NRA), jnp.float32),
    )(idx3, g_edges)
    kmat = acc[:n_nodes * 5].reshape(n_nodes, 5 * _NRA)

    bn = 1000
    v = pl.pallas_call(
        _node_kernel,
        grid=(n_nodes // bn,),
        in_specs=[
            pl.BlockSpec((bn, 5 * _NRA), lambda i: (i, 0)),
            pl.BlockSpec((5 * _NRA, 1920), lambda i: (0, 0)),
            pl.BlockSpec((bn, 1), lambda i: (i, 0)),
            pl.BlockSpec((5, 1920), lambda i: (0, 0)),
        ],
        out_specs=pl.BlockSpec((bn, 1920), lambda i: (i, 0)),
        out_shape=jax.ShapeDtypeStruct((n_nodes, 1920), jnp.float32),
    )(kmat, bigw, zarr[:, None], pat)

    v3 = v.reshape(n_nodes, _NANG, _NB * _NAB * _NAB)
    out0 = v3[:, 0]
    out1 = jnp.stack([v3[:, 1], v3[:, 2], v3[:, 3]], axis=-1)
    comp = {(0, 0): 4, (0, 1): 5, (0, 2): 6,
            (1, 0): 5, (1, 1): 7, (1, 2): 8,
            (2, 0): 6, (2, 1): 8, (2, 2): 9}
    out2 = jnp.stack(
        [jnp.stack([v3[:, comp[(d1, d2)]] for d2 in range(3)], axis=-1)
         for d1 in range(3)], axis=-2)
    return (out0, out1, out2)

# --- scband reference (transcript-rebuilt; emitter-appended) ---
"""Pipeline reference for scband-cace-a-33956011442593 (READ-ONLY COPY).

The authoritative reference and input builder live on the scoring server;
editing this copy changes nothing except your own understanding.
"""

import jax, jax.numpy as jnp
import numpy as np
import itertools, math

ZS = [1, 6, 7, 8, 9]
NZ = len(ZS)
N_ATOM_BASIS = 4
N_RBF = 8
N_RADIAL = 12
CUTOFF = 4.0
MAX_L = 2
P_CUT = 5
N_CHANNELS = N_ATOM_BASIS ** 2
N_NODES = 10000
N_EDGES = 160000

def get_lxlylz_list(max_l):
    out = []
    for l in range(max_l + 1):
        for lx in range(l, -1, -1):
            for ly in range(l - lx, -1, -1):
                out.append((lx, ly, l - lx - ly))
    return out

LXLYLZ = get_lxlylz_list(MAX_L)
N_ANG = len(LXLYLZ)
L_OF = np.array([lx + ly + lz for (lx, ly, lz) in LXLYLZ])

def setup_inputs(seed: int = 0):
    key = jax.random.key(seed)
    ks = jax.random.split(key, 8)
    z_idx = jax.random.randint(ks[0], (N_NODES,), 0, NZ)
    atomic_numbers = jnp.array(ZS, dtype=jnp.int32)[z_idx]
    edge_index = jax.random.randint(ks[1], (2, N_EDGES), 0, N_NODES)
    dij = jax.random.uniform(ks[2], (N_EDGES,), minval=0.5, maxval=CUTOFF, dtype=jnp.float32)
    uij = jax.random.normal(ks[3], (N_EDGES, 3), dtype=jnp.float32)
    uij = uij / jnp.linalg.norm(uij, axis=-1, keepdims=True)
    positions = jax.random.normal(ks[4], (N_NODES, 3), dtype=jnp.float32)
    W_sender = jax.random.normal(ks[5], (NZ, N_ATOM_BASIS), dtype=jnp.float32) / math.sqrt(NZ)
    W_receiver = jax.random.normal(ks[6], (NZ, N_ATOM_BASIS), dtype=jnp.float32) / math.sqrt(NZ)
    bessel_freqs = jnp.arange(1, N_RBF + 1, dtype=jnp.float32) * math.pi / CUTOFF
    radial_weights = jax.random.normal(ks[7], (MAX_L + 1, N_RBF, N_RADIAL, N_CHANNELS), dtype=jnp.float32) / math.sqrt(N_RBF)
    return {"atomic_numbers": atomic_numbers, "edge_index": edge_index, "dij": dij, "uij": uij, "positions": positions, "W_sender": W_sender, "W_receiver": W_receiver, "bessel_freqs": bessel_freqs, "radial_weights": radial_weights}

def reference(atomic_numbers, edge_index, dij, uij, positions, W_sender, W_receiver, bessel_freqs, radial_weights):
    zs = jnp.array(ZS, dtype=atomic_numbers.dtype)
    one_hot = (atomic_numbers[:, None] == zs[None, :]).astype(jnp.float32)
    emb_s = one_hot @ W_sender
    emb_r = one_hot @ W_receiver
    sender = emb_s[edge_index[0]]
    receiver = emb_r[edge_index[1]]
    E = edge_index.shape[1]
    encoded_edges = (sender[:, :, None] * receiver[:, None, :]).reshape(E, -1)
    d = dij[:, None]
    radial = jnp.sqrt(2.0 / CUTOFF) * jnp.sin(bessel_freqs[None, :] * d) / d
    p = float(P_CUT)
    r = dij / CUTOFF
    cut = 1.0 - (p + 1.0) * (p + 2.0) / 2.0 * r ** p + p * (p + 2.0) * r ** (p + 1.0) - p * (p + 1.0) / 2.0 * r ** (p + 2.0)
    cut = cut * (dij < CUTOFF).astype(jnp.float32)
    cut = cut[:, None]
    ux, uy, uz = uij[:, 0], uij[:, 1], uij[:, 2]
    ang = jnp.stack([ux ** lx * uy ** ly * uz ** lz for (lx, ly, lz) in LXLYLZ], axis=1)
    edge_attri = jnp.einsum('er,ea,ec->erac', radial * cut, ang, encoded_edges)
    n_nodes = positions.shape[0]
    node_feat_A = jax.ops.segment_sum(edge_attri, edge_index[1], num_segments=n_nodes)
    Wper = radial_weights[jnp.asarray(L_OF)]
    a_basis = jnp.einsum('nrac,arbc->nbac', node_feat_A, Wper)
    a_basis = jnp.moveaxis(a_basis, 2, 0)
    a_basis = a_basis.reshape(a_basis.shape[0], a_basis.shape[1], -1)
    n = a_basis.shape[1]
    rc = a_basis.shape[2]
    adct = {0: a_basis[0]}
    for l in range(1, MAX_L + 1):
        adct[l] = jnp.zeros((3,) * l + (n, rc), dtype=jnp.float32)
    for i, (lx, ly, lz) in enumerate(LXLYLZ[1:]):
        l = lx + ly + lz
        idx = (0,) * lx + (1,) * ly + (2,) * lz
        for pidx in set(itertools.permutations(idx)):
            adct[l] = adct[l].at[pidx].set(a_basis[i + 1])
    outs = []
    for l in range(MAX_L + 1):
        t = adct[l]
        t = jnp.moveaxis(jnp.moveaxis(t, -1, 0), -1, 0)
        outs.append(t)
    return tuple(outs)

if __name__ == "__main__":
    import jax
    _d = setup_inputs()
    print(jax.jit(kernel)(*tuple(_d.values())))

</pallas_src>

<mosaic_0001>
#map = affine_map<(d0, d1) -> (0)>
#map1 = affine_map<(d0, d1) -> (0, 0)>
module attributes {stable_mosaic.version = 14 : i64} {
  func.func @sc_idx(%arg0: i32, %arg1: i32, %arg2: memref<161792xi32, #tpu.memory_space<hbm>>, %arg3: memref<161792xi32, #tpu.memory_space<hbm>>, %arg4: memref<10000xi32, #tpu.memory_space<hbm>>, %arg5: memref<32x5056xi32, #tpu.memory_space<hbm>>, %arg6: memref<10000xi32, #tpu.memory_space<vmem>>, %arg7: memref<5056xi32, #tpu.memory_space<vmem>>, %arg8: memref<5056xi32, #tpu.memory_space<vmem>>, %arg9: memref<5056xi32, #tpu.memory_space<vmem>>) attributes {dimension_semantics = [#tpu.dimension_semantics<core_parallel>, #tpu.dimension_semantics<subcore_parallel>], iteration_bounds = array<i64: 2, 16>, scalar_prefetch = 0 : i64, scratch_operands = 4 : i64, tpu.core_type = #tpu.core_type<sc_vector_subcore>, window_params = [{transform_indices = #map}, {transform_indices = #map}, {transform_indices = #map}, {transform_indices = #map1}]} {
    %mul3A = arith.constant 2 : i32
    %mul3A_0 = arith.muli %arg1, %mul3A : i32
    %add3A = arith.addi %mul3A_0, %arg0 : i32
    %mul3A_1 = arith.constant 5056 : i32
    %mul3A_2 = arith.muli %add3A, %mul3A_1 : i32
    %iota3A = tpu.iota {dimensions = array<i32: 0>} : vector<16xi32>
    "tpu.region"() ({
      %run_scoped3A = tpu.sem_alloc : memref<!tpu.dma_semaphore, #tpu.memory_space<semaphore_mem>>
      tpu.enqueue_dma source(%arg4 : memref<10000xi32, #tpu.memory_space<hbm>>) target(%arg6 : memref<10000xi32, #tpu.memory_space<vmem>>) target_semaphore(%run_scoped3A : memref<!tpu.dma_semaphore, #tpu.memory_space<semaphore_mem>>)
      tpu.wait_dma2 semaphore(%run_scoped3A : memref<!tpu.dma_semaphore, #tpu.memory_space<semaphore_mem>>) src(%arg4 : memref<10000xi32, #tpu.memory_space<hbm>>) dst(%arg6 : memref<10000xi32, #tpu.memory_space<vmem>>)
      tpu.yield
    }) : () -> ()
    "tpu.region"() ({
      %run_scoped3A = tpu.sem_alloc : memref<!tpu.dma_semaphore, #tpu.memory_space<semaphore_mem>>
      %dma_start3A = tpu.memref_slice %arg3[%mul3A_2] : memref<161792xi32, #tpu.memory_space<hbm>> -> memref<5056xi32, #tpu.memory_space<hbm>>
      %dma_start3A_7 = tpu.memref_slice %arg3[%mul3A_2] : memref<161792xi32, #tpu.memory_space<hbm>> -> memref<5056xi32, #tpu.memory_space<hbm>>
      tpu.enqueue_dma source(%dma_start3A_7 : memref<5056xi32, #tpu.memory_space<hbm>>) target(%arg7 : memref<5056xi32, #tpu.memory_space<vmem>>) target_semaphore(%run_scoped3A : memref<!tpu.dma_semaphore, #tpu.memory_space<semaphore_mem>>)
      %dma_wait3A = tpu.memref_slice %arg3[%mul3A_2] : memref<161792xi32, #tpu.memory_space<hbm>> -> memref<5056xi32, #tpu.memory_space<hbm>>
      %dma_wait3A_8 = tpu.memref_slice %arg3[%mul3A_2] : memref<161792xi32, #tpu.memory_space<hbm>> -> memref<5056xi32, #tpu.memory_space<hbm>>
      tpu.wait_dma2 semaphore(%run_scoped3A : memref<!tpu.dma_semaphore, #tpu.memory_space<semaphore_mem>>) src(%dma_wait3A_8 : memref<5056xi32, #tpu.memory_space<hbm>>) dst(%arg7 : memref<5056xi32, #tpu.memory_space<vmem>>)
      tpu.yield
    }) : () -> ()
    "tpu.region"() ({
      %run_scoped3A = tpu.sem_alloc : memref<!tpu.dma_semaphore, #tpu.memory_space<semaphore_mem>>
      %dma_start3A = tpu.memref_slice %arg2[%mul3A_2] : memref<161792xi32, #tpu.memory_space<hbm>> -> memref<5056xi32, #tpu.memory_space<hbm>>
      %dma_start3A_7 = tpu.memref_slice %arg2[%mul3A_2] : memref<161792xi32, #tpu.memory_space<hbm>> -> memref<5056xi32, #tpu.memory_space<hbm>>
      tpu.enqueue_dma source(%dma_start3A_7 : memref<5056xi32, #tpu.memory_space<hbm>>) target(%arg9 : memref<5056xi32, #tpu.memory_space<vmem>>) target_semaphore(%run_scoped3A : memref<!tpu.dma_semaphore, #tpu.memory_space<semaphore_mem>>)
      %dma_wait3A = tpu.memref_slice %arg2[%mul3A_2] : memref<161792xi32, #tpu.memory_space<hbm>> -> memref<5056xi32, #tpu.memory_space<hbm>>
      %dma_wait3A_8 = tpu.memref_slice %arg2[%mul3A_2] : memref<161792xi32, #tpu.memory_space<hbm>> -> memref<5056xi32, #tpu.memory_space<hbm>>
      tpu.wait_dma2 semaphore(%run_scoped3A : memref<!tpu.dma_semaphore, #tpu.memory_space<semaphore_mem>>) src(%dma_wait3A_8 : memref<5056xi32, #tpu.memory_space<hbm>>) dst(%arg9 : memref<5056xi32, #tpu.memory_space<vmem>>)
      tpu.yield
    }) : () -> ()
    %scan3A = arith.constant 0 : i32
    %scan3A_3 = arith.constant 316 : i32
    %scan3A_4 = arith.addi %scan3A, %scan3A_3 : i32
    %scan3A_5 = arith.constant 1 : i32
    scf.for %scan3A_7 = %scan3A to %scan3A_4 step %scan3A_5  : i32 {
      %mul3A_8 = arith.constant 1 : i32
      %mul3A_9 = arith.muli %scan3A_7, %mul3A_8 : i32
      %add3A_10 = arith.constant 0 : i32
      %add3A_11 = arith.addi %add3A_10, %mul3A_9 : i32
      %mul3A_12 = arith.constant 16 : i32
      %mul3A_13 = arith.muli %add3A_11, %mul3A_12 : i32
      %get3A = arith.index_cast %mul3A_13 : i32 to index
      %get3A_14 = tpu.vector_load %arg9[%get3A] {strides = array<i32>} : memref<5056xi32, #tpu.memory_space<vmem>>, vector<16xi32>,
      %gather3A = tpu.vector_load_idx %arg6[%get3A_14] : memref<10000xi32, #tpu.memory_space<vmem>>[vector<16xi32>], vector<16xi32>,
      %eq3A = arith.constant 1 : i32
      %eq3A_15 = vector.broadcast %eq3A : i32 to vector<16xi32>
      %eq3A_16 = arith.cmpi eq, %gather3A, %eq3A_15 : vector<16xi32>
      %eq3A_17 = arith.constant 6 : i32
      %eq3A_18 = vector.broadcast %eq3A_17 : i32 to vector<16xi32>
      %eq3A_19 = arith.cmpi eq, %gather3A, %eq3A_18 : vector<16xi32>
      %eq3A_20 = arith.constant 7 : i32
      %eq3A_21 = vector.broadcast %eq3A_20 : i32 to vector<16xi32>
      %eq3A_22 = arith.cmpi eq, %gather3A, %eq3A_21 : vector<16xi32>
      %eq3A_23 = arith.constant 8 : i32
      %eq3A_24 = vector.broadcast %eq3A_23 : i32 to vector<16xi32>
      %eq3A_25 = arith.cmpi eq, %gather3A, %eq3A_24 : vector<16xi32>
      %jit3A = arith.constant 3 : i32
      %jit3A_26 = arith.constant 4 : i32
      %broadcast_in_dim3A = vector.broadcast %jit3A : i32 to vector<16xi32>
      %broadcast_in_dim3A_27 = vector.broadcast %jit3A_26 : i32 to vector<16xi32>
      %select_n3A = arith.select %eq3A_25, %broadcast_in_dim3A, %broadcast_in_dim3A_27 : vector<16xi1>, vector<16xi32>
      %jit3A_28 = arith.constant 2 : i32
      %broadcast_in_dim3A_29 = vector.broadcast %jit3A_28 : i32 to vector<16xi32>
      %select_n3A_30 = arith.select %eq3A_22, %broadcast_in_dim3A_29, %select_n3A : vector<16xi1>, vector<16xi32>
      %jit3A_31 = arith.constant 1 : i32
      %broadcast_in_dim3A_32 = vector.broadcast %jit3A_31 : i32 to vector<16xi32>
      %select_n3A_33 = arith.select %eq3A_19, %broadcast_in_dim3A_32, %select_n3A_30 : vector<16xi1>, vector<16xi32>
      %jit3A_34 = arith.constant 0 : i32
      %broadcast_in_dim3A_35 = vector.broadcast %jit3A_34 : i32 to vector<16xi32>
      %select_n3A_36 = arith.select %eq3A_16, %broadcast_in_dim3A_35, %select_n3A_33 : vector<16xi1>, vector<16xi32>
      %mul3A_37 = arith.constant 16 : i32
      %mul3A_38 = arith.muli %add3A_11, %mul3A_37 : i32
      %get3A_39 = arith.index_cast %mul3A_38 : i32 to index
      %get3A_40 = tpu.vector_load %arg7[%get3A_39] {strides = array<i32>} : memref<5056xi32, #tpu.memory_space<vmem>>, vector<16xi32>,
      %ge3A = arith.constant 0 : i32
      %ge3A_41 = vector.broadcast %ge3A : i32 to vector<16xi32>
      %ge3A_42 = arith.cmpi sge, %get3A_40, %ge3A_41 : vector<16xi32>
      %lt3A = arith.constant 10000 : i32
      %lt3A_43 = vector.broadcast %lt3A : i32 to vector<16xi32>
      %lt3A_44 = arith.cmpi slt, %get3A_40, %lt3A_43 : vector<16xi32>
      %and3A = arith.andi %ge3A_42, %lt3A_44 : vector<16xi1>
      %mul3A_45 = arith.constant 5 : i32
      %mul3A_46 = vector.broadcast %mul3A_45 : i32 to vector<16xi32>
      %mul3A_47 = arith.muli %get3A_40, %mul3A_46 : vector<16xi32>
      %add3A_48 = arith.addi %mul3A_47, %select_n3A_36 : vector<16xi32>
      %add3A_49 = arith.constant 50000 : i32
      %add3A_50 = vector.broadcast %add3A_49 : i32 to vector<16xi32>
      %add3A_51 = arith.addi %add3A_50, %iota3A : vector<16xi32>
      %select_n3A_52 = arith.select %and3A, %add3A_48, %add3A_51 : vector<16xi1>, vector<16xi32>
      %mul3A_53 = arith.constant 16 : i32
      %mul3A_54 = arith.muli %add3A_11, %mul3A_53 : i32
      %swap3A = arith.index_cast %mul3A_54 : i32 to index
      %swap3A_55 = tpu.vector_load %arg8[%swap3A] {strides = array<i32>} : memref<5056xi32, #tpu.memory_space<vmem>>, vector<16xi32>,
      tpu.vector_store %arg8[%swap3A], %select_n3A_52 {strides = array<i32>} : memref<5056xi32, #tpu.memory_space<vmem>>, vector<16xi32>,
    }
    %scan3A_6 = arith.constant 316 : i32
    "tpu.region"() ({
      %run_scoped3A = tpu.sem_alloc : memref<!tpu.dma_semaphore, #tpu.memory_space<semaphore_mem>>
      %dma_start3A = arith.constant 0 : i32
      %dma_start3A_7 = tpu.memref_slice %arg5[%add3A, %dma_start3A] : memref<32x5056xi32, #tpu.memory_space<hbm>> -> memref<1x5056xi32, #tpu.memory_space<hbm>>
      %dma_start3A_8 = tpu.memref_squeeze %dma_start3A_7 : memref<1x5056xi32, #tpu.memory_space<hbm>> -> memref<5056xi32, #tpu.memory_space<hbm>>
      %dma_start3A_9 = arith.constant 0 : i32
      %dma_start3A_10 = tpu.memref_slice %arg5[%add3A, %dma_start3A_9] : memref<32x5056xi32, #tpu.memory_space<hbm>> -> memref<1x5056xi32, #tpu.memory_space<hbm>>
      %dma_start3A_11 = tpu.memref_squeeze %dma_start3A_10 : memref<1x5056xi32, #tpu.memory_space<hbm>> -> memref<5056xi32, #tpu.memory_space<hbm>>
      tpu.enqueue_dma source(%arg8 : memref<5056xi32, #tpu.memory_space<vmem>>) target(%dma_start3A_11 : memref<5056xi32, #tpu.memory_space<hbm>>) target_semaphore(%run_scoped3A : memref<!tpu.dma_semaphore, #tpu.memory_space<semaphore_mem>>)
      %dma_wait3A = arith.constant 0 : i32
      %dma_wait3A_12 = tpu.memref_slice %arg5[%add3A, %dma_wait3A] : memref<32x5056xi32, #tpu.memory_space<hbm>> -> memref<1x5056xi32, #tpu.memory_space<hbm>>
      %dma_wait3A_13 = tpu.memref_squeeze %dma_wait3A_12 : memref<1x5056xi32, #tpu.memory_space<hbm>> -> memref<5056xi32, #tpu.memory_space<hbm>>
      %dma_wait3A_14 = arith.constant 0 : i32
      %dma_wait3A_15 = tpu.memref_slice %arg5[%add3A, %dma_wait3A_14] : memref<32x5056xi32, #tpu.memory_space<hbm>> -> memref<1x5056xi32, #tpu.memory_space<hbm>>
      %dma_wait3A_16 = tpu.memref_squeeze %dma_wait3A_15 : memref<1x5056xi32, #tpu.memory_space<hbm>> -> memref<5056xi32, #tpu.memory_space<hbm>>
      tpu.wait_dma2 semaphore(%run_scoped3A : memref<!tpu.dma_semaphore, #tpu.memory_space<semaphore_mem>>) src(%arg8 : memref<5056xi32, #tpu.memory_space<vmem>>) dst(%dma_wait3A_16 : memref<5056xi32, #tpu.memory_space<hbm>>)
      tpu.yield
    }) : () -> ()
    return
  }
}

module attributes {stable_mosaic.version = 14 : i64} {
  func.func @_edge_feat_kernel(%arg0: i32, %arg1: memref<2048x4xf32, #tpu.memory_space<vmem>>, %arg2: memref<1x80xf32, #tpu.memory_space<vmem>>, %arg3: memref<1x80xf32, #tpu.memory_space<vmem>>, %arg4: memref<1x80xf32, #tpu.memory_space<vmem>>, %arg5: memref<1x80xf32, #tpu.memory_space<vmem>>, %arg6: memref<2048x80xf32, #tpu.memory_space<vmem>>) attributes {dimension_semantics = [#tpu.dimension_semantics<arbitrary>], iteration_bounds = array<i64: 79>, scalar_prefetch = 0 : i64, scratch_operands = 0 : i64, tpu.core_type = #tpu.core_type<tc>, window_params = [{transform_indices = @transform_0, window_bounds = array<i64: 2048, 4>}, {pipeline_mode = #tpu.pipeline_mode<synchronous>, transform_indices = @transform_1, window_bounds = array<i64: 1, 80>}, {pipeline_mode = #tpu.pipeline_mode<synchronous>, transform_indices = @transform_2, window_bounds = array<i64: 1, 80>}, {pipeline_mode = #tpu.pipeline_mode<synchronous>, transform_indices = @transform_3, window_bounds = array<i64: 1, 80>}, {pipeline_mode = #tpu.pipeline_mode<synchronous>, transform_indices = @transform_4, window_bounds = array<i64: 1, 80>}, {transform_indices = @transform_5, window_bounds = array<i64: 2048, 80>}]} {
    %get3A = arith.constant 0 : index
    %get3A_0 = arith.constant 0 : index
    %get3A_1 = vector.load %arg1[%get3A, %get3A_0] : memref<2048x4xf32, #tpu.memory_space<vmem>>, vector<2048x1xf32>
    %get3A_2 = arith.constant 0 : index
    %get3A_3 = arith.constant 1 : index
    %get3A_4 = vector.load %arg1[%get3A_2, %get3A_3] : memref<2048x4xf32, #tpu.memory_space<vmem>>, vector<2048x1xf32>
    %get3A_5 = arith.constant 0 : index
    %get3A_6 = arith.constant 2 : index
    %get3A_7 = vector.load %arg1[%get3A_5, %get3A_6] : memref<2048x4xf32, #tpu.memory_space<vmem>>, vector<2048x1xf32>
    %get3A_8 = arith.constant 0 : index
    %get3A_9 = arith.constant 3 : index
    %get3A_10 = vector.load %arg1[%get3A_8, %get3A_9] : memref<2048x4xf32, #tpu.memory_space<vmem>>, vector<2048x1xf32>
    %get3A_11 = arith.constant 0 : index
    %get3A_12 = arith.constant 0 : index
    %get3A_13 = vector.load %arg2[%get3A_11, %get3A_12] : memref<1x80xf32, #tpu.memory_space<vmem>>, vector<1x80xf32>
    %get3A_14 = arith.constant 0 : index
    %get3A_15 = arith.constant 0 : index
    %get3A_16 = vector.load %arg3[%get3A_14, %get3A_15] : memref<1x80xf32, #tpu.memory_space<vmem>>, vector<1x80xf32>
    %get3A_17 = arith.constant 0 : index
    %get3A_18 = arith.constant 0 : index
    %get3A_19 = vector.load %arg4[%get3A_17, %get3A_18] : memref<1x80xf32, #tpu.memory_space<vmem>>, vector<1x80xf32>
    %get3A_20 = arith.constant 0 : index
    %get3A_21 = arith.constant 0 : index
    %get3A_22 = vector.load %arg5[%get3A_20, %get3A_21] : memref<1x80xf32, #tpu.memory_space<vmem>>, vector<1x80xf32>
    %mul3A = arith.constant 2.500000e-01 : f32
    %mul3A_23 = vector.broadcast %mul3A : f32 to vector<2048x1xf32>
    %mul3A_24 = arith.mulf %get3A_1, %mul3A_23 : vector<2048x1xf32>
    %mul3A_25 = arith.mulf %mul3A_24, %mul3A_24 : vector<2048x1xf32>
    %mul3A_26 = arith.mulf %mul3A_25, %mul3A_25 : vector<2048x1xf32>
    %mul3A_27 = arith.mulf %mul3A_26, %mul3A_24 : vector<2048x1xf32>
    %mul3A_28 = arith.mulf %mul3A_27, %mul3A_24 : vector<2048x1xf32>
    %mul3A_29 = arith.mulf %mul3A_28, %mul3A_24 : vector<2048x1xf32>
    %mul3A_30 = arith.constant 2.100000e+01 : f32
    %mul3A_31 = vector.broadcast %mul3A_30 : f32 to vector<2048x1xf32>
    %mul3A_32 = arith.mulf %mul3A_31, %mul3A_27 : vector<2048x1xf32>
    %sub3A = arith.constant 1.000000e+00 : f32
    %sub3A_33 = vector.broadcast %sub3A : f32 to vector<2048x1xf32>
    %sub3A_34 = arith.subf %sub3A_33, %mul3A_32 : vector<2048x1xf32>
    %mul3A_35 = arith.constant 3.500000e+01 : f32
    %mul3A_36 = vector.broadcast %mul3A_35 : f32 to vector<2048x1xf32>
    %mul3A_37 = arith.mulf %mul3A_36, %mul3A_28 : vector<2048x1xf32>
    %add3A = arith.addf %sub3A_34, %mul3A_37 : vector<2048x1xf32>
    %mul3A_38 = arith.constant 1.500000e+01 : f32
    %mul3A_39 = vector.broadcast %mul3A_38 : f32 to vector<2048x1xf32>
    %mul3A_40 = arith.mulf %mul3A_39, %mul3A_29 : vector<2048x1xf32>
    %sub3A_41 = arith.subf %add3A, %mul3A_40 : vector<2048x1xf32>
    %lt3A = arith.constant 4.000000e+00 : f32
    %lt3A_42 = vector.broadcast %lt3A : f32 to vector<2048x1xf32>
    %lt3A_43 = arith.cmpf olt, %get3A_1, %lt3A_42 : vector<2048x1xf32>
    %jit3A = arith.constant 0.000000e+00 : f32
    %broadcast_in_dim3A = vector.broadcast %jit3A : f32 to vector<2048x1xf32>
    %select_n3A = arith.select %lt3A_43, %sub3A_41, %broadcast_in_dim3A : vector<2048x1xi1>, vector<2048x1xf32>
    %mul3A_44 = arith.constant 0.707106769 : f32
    %mul3A_45 = vector.broadcast %mul3A_44 : f32 to vector<2048x1xf32>
    %mul3A_46 = arith.mulf %mul3A_45, %select_n3A : vector<2048x1xf32>
    %div3A = arith.divf %mul3A_46, %get3A_1 : vector<2048x1xf32>
    %mul3A_47 = vector.broadcast %get3A_1 : vector<2048x1xf32> to vector<2048x80xf32>
    %mul3A_48 = vector.broadcast %get3A_13 : vector<1x80xf32> to vector<2048x80xf32>
    %mul3A_49 = arith.mulf %mul3A_47, %mul3A_48 : vector<2048x80xf32>
    %sin3A = math.sin %mul3A_49 : vector<2048x80xf32>
    %mul3A_50 = vector.broadcast %div3A : vector<2048x1xf32> to vector<2048x80xf32>
    %mul3A_51 = arith.mulf %sin3A, %mul3A_50 : vector<2048x80xf32>
    %eq3A = arith.constant 0.000000e+00 : f32
    %eq3A_52 = vector.broadcast %eq3A : f32 to vector<1x80xf32>
    %eq3A_53 = arith.cmpf oeq, %get3A_16, %eq3A_52 : vector<1x80xf32>
    %eq3A_54 = arith.constant 1.000000e+00 : f32
    %eq3A_55 = vector.broadcast %eq3A_54 : f32 to vector<1x80xf32>
    %eq3A_56 = arith.cmpf oeq, %get3A_16, %eq3A_55 : vector<1x80xf32>
    %mul3A_57 = arith.mulf %get3A_4, %get3A_4 : vector<2048x1xf32>
    %broadcast_in_dim3A_58 = vector.shape_cast %eq3A_56 : vector<1x80xi1> to vector<1x80xi1>
    %broadcast_in_dim3A_59 = vector.broadcast %broadcast_in_dim3A_58 : vector<1x80xi1> to vector<2048x80xi1>
    %broadcast_in_dim3A_60 = vector.shape_cast %get3A_4 : vector<2048x1xf32> to vector<2048x1xf32>
    %broadcast_in_dim3A_61 = vector.broadcast %broadcast_in_dim3A_60 : vector<2048x1xf32> to vector<2048x80xf32>
    %broadcast_in_dim3A_62 = vector.shape_cast %mul3A_57 : vector<2048x1xf32> to vector<2048x1xf32>
    %broadcast_in_dim3A_63 = vector.broadcast %broadcast_in_dim3A_62 : vector<2048x1xf32> to vector<2048x80xf32>
    %select_n3A_64 = arith.select %broadcast_in_dim3A_59, %broadcast_in_dim3A_61, %broadcast_in_dim3A_63 : vector<2048x80xi1>, vector<2048x80xf32>
    %jit3A_65 = arith.constant 1.000000e+00 : f32
    %broadcast_in_dim3A_66 = vector.shape_cast %eq3A_53 : vector<1x80xi1> to vector<1x80xi1>
    %broadcast_in_dim3A_67 = vector.broadcast %broadcast_in_dim3A_66 : vector<1x80xi1> to vector<2048x80xi1>
    %broadcast_in_dim3A_68 = vector.broadcast %jit3A_65 : f32 to vector<2048x80xf32>
    %select_n3A_69 = arith.select %broadcast_in_dim3A_67, %broadcast_in_dim3A_68, %select_n3A_64 : vector<2048x80xi1>, vector<2048x80xf32>
    %eq3A_70 = arith.constant 0.000000e+00 : f32
    %eq3A_71 = vector.broadcast %eq3A_70 : f32 to vector<1x80xf32>
    %eq3A_72 = arith.cmpf oeq, %get3A_19, %eq3A_71 : vector<1x80xf32>
    %eq3A_73 = arith.constant 1.000000e+00 : f32
    %eq3A_74 = vector.broadcast %eq3A_73 : f32 to vector<1x80xf32>
    %eq3A_75 = arith.cmpf oeq, %get3A_19, %eq3A_74 : vector<1x80xf32>
    %mul3A_76 = arith.mulf %get3A_7, %get3A_7 : vector<2048x1xf32>
    %broadcast_in_dim3A_77 = vector.shape_cast %eq3A_75 : vector<1x80xi1> to vector<1x80xi1>
    %broadcast_in_dim3A_78 = vector.broadcast %broadcast_in_dim3A_77 : vector<1x80xi1> to vector<2048x80xi1>
    %broadcast_in_dim3A_79 = vector.shape_cast %get3A_7 : vector<2048x1xf32> to vector<2048x1xf32>
    %broadcast_in_dim3A_80 = vector.broadcast %broadcast_in_dim3A_79 : vector<2048x1xf32> to vector<2048x80xf32>
    %broadcast_in_dim3A_81 = vector.shape_cast %mul3A_76 : vector<2048x1xf32> to vector<2048x1xf32>
    %broadcast_in_dim3A_82 = vector.broadcast %broadcast_in_dim3A_81 : vector<2048x1xf32> to vector<2048x80xf32>
    %select_n3A_83 = arith.select %broadcast_in_dim3A_78, %broadcast_in_dim3A_80, %broadcast_in_dim3A_82 : vector<2048x80xi1>, vector<2048x80xf32>
    %jit3A_84 = arith.constant 1.000000e+00 : f32
    %broadcast_in_dim3A_85 = vector.shape_cast %eq3A_72 : vector<1x80xi1> to vector<1x80xi1>
    %broadcast_in_dim3A_86 = vector.broadcast %broadcast_in_dim3A_85 : vector<1x80xi1> to vector<2048x80xi1>
    %broadcast_in_dim3A_87 = vector.broadcast %jit3A_84 : f32 to vector<2048x80xf32>
    %select_n3A_88 = arith.select %broadcast_in_dim3A_86, %broadcast_in_dim3A_87, %select_n3A_83 : vector<2048x80xi1>, vector<2048x80xf32>
    %eq3A_89 = arith.constant 0.000000e+00 : f32
    %eq3A_90 = vector.broadcast %eq3A_89 : f32 to vector<1x80xf32>
    %eq3A_91 = arith.cmpf oeq, %get3A_22, %eq3A_90 : vector<1x80xf32>
    %eq3A_92 = arith.constant 1.000000e+00 : f32
    %eq3A_93 = vector.broadcast %eq3A_92 : f32 to vector<1x80xf32>
    %eq3A_94 = arith.cmpf oeq, %get3A_22, %eq3A_93 : vector<1x80xf32>
    %mul3A_95 = arith.mulf %get3A_10, %get3A_10 : vector<2048x1xf32>
    %broadcast_in_dim3A_96 = vector.shape_cast %eq3A_94 : vector<1x80xi1> to vector<1x80xi1>
    %broadcast_in_dim3A_97 = vector.broadcast %broadcast_in_dim3A_96 : vector<1x80xi1> to vector<2048x80xi1>
    %broadcast_in_dim3A_98 = vector.shape_cast %get3A_10 : vector<2048x1xf32> to vector<2048x1xf32>
    %broadcast_in_dim3A_99 = vector.broadcast %broadcast_in_dim3A_98 : vector<2048x1xf32> to vector<2048x80xf32>
    %broadcast_in_dim3A_100 = vector.shape_cast %mul3A_95 : vector<2048x1xf32> to vector<2048x1xf32>
    %broadcast_in_dim3A_101 = vector.broadcast %broadcast_in_dim3A_100 : vector<2048x1xf32> to vector<2048x80xf32>
    %select_n3A_102 = arith.select %broadcast_in_dim3A_97, %broadcast_in_dim3A_99, %broadcast_in_dim3A_101 : vector<2048x80xi1>, vector<2048x80xf32>
    %jit3A_103 = arith.constant 1.000000e+00 : f32
    %broadcast_in_dim3A_104 = vector.shape_cast %eq3A_91 : vector<1x80xi1> to vector<1x80xi1>
    %broadcast_in_dim3A_105 = vector.broadcast %broadcast_in_dim3A_104 : vector<1x80xi1> to vector<2048x80xi1>
    %broadcast_in_dim3A_106 = vector.broadcast %jit3A_103 : f32 to vector<2048x80xf32>
    %select_n3A_107 = arith.select %broadcast_in_dim3A_105, %broadcast_in_dim3A_106, %select_n3A_102 : vector<2048x80xi1>, vector<2048x80xf32>
    %mul3A_108 = arith.mulf %select_n3A_69, %select_n3A_88 : vector<2048x80xf32>
    %mul3A_109 = arith.mulf %mul3A_108, %select_n3A_107 : vector<2048x80xf32>
    %mul3A_110 = arith.mulf %mul3A_51, %mul3A_109 : vector<2048x80xf32>
    %swap3A = arith.constant 0 : index
    %swap3A_111 = arith.constant 0 : index
    %swap3A_112 = vector.load %arg6[%swap3A, %swap3A_111] : memref<2048x80xf32, #tpu.memory_space<vmem>>, vector<2048x80xf32>
    tpu.vector_store %arg6[%swap3A, %swap3A_111], %mul3A_110 {strides = array<i32>} : memref<2048x80xf32, #tpu.memory_space<vmem>>, vector<2048x80xf32>,
    return
  }
  func.func @transform_0(%arg0: i32) -> (i32, i32) {
    %c0_i32 = arith.constant 0 : i32
    %c0_i32_0 = arith.constant 0 : i32
    return %arg0, %c0_i32 : i32, i32
  }
  func.func @transform_1(%arg0: i32) -> (i32, i32) {
    %c0_i32 = arith.constant 0 : i32
    %c0_i32_0 = arith.constant 0 : i32
    %c0_i32_1 = arith.constant 0 : i32
    return %c0_i32, %c0_i32_0 : i32, i32
  }
  func.func @transform_2(%arg0: i32) -> (i32, i32) {
    %c0_i32 = arith.constant 0 : i32
    %c0_i32_0 = arith.constant 0 : i32
    %c0_i32_1 = arith.constant 0 : i32
    return %c0_i32, %c0_i32_0 : i32, i32
  }
  func.func @transform_3(%arg0: i32) -> (i32, i32) {
    %c0_i32 = arith.constant 0 : i32
    %c0_i32_0 = arith.constant 0 : i32
    %c0_i32_1 = arith.constant 0 : i32
    return %c0_i32, %c0_i32_0 : i32, i32
  }
  func.func @transform_4(%arg0: i32) -> (i32, i32) {
    %c0_i32 = arith.constant 0 : i32
    %c0_i32_0 = arith.constant 0 : i32
    %c0_i32_1 = arith.constant 0 : i32
    return %c0_i32, %c0_i32_0 : i32, i32
  }
  func.func @transform_5(%arg0: i32) -> (i32, i32) {
    %c0_i32 = arith.constant 0 : i32
    %c0_i32_0 = arith.constant 0 : i32
    return %arg0, %c0_i32 : i32, i32
  }
}

module attributes {stable_mosaic.version = 14 : i64} {
  func.func @_accum_kernel(%arg0: i32, %arg1: memref<1x1x2048xi32, #tpu.memory_space<smem>>, %arg2: memref<2048x80xf32, #tpu.memory_space<vmem>>, %arg3: memref<50048x80xf32, #tpu.memory_space<vmem>>) attributes {dimension_semantics = [#tpu.dimension_semantics<arbitrary>], iteration_bounds = array<i64: 79>, scalar_prefetch = 0 : i64, scratch_operands = 0 : i64, tpu.core_type = #tpu.core_type<tc>, window_params = [{transform_indices = @transform_0, window_bounds = array<i64: 1, 1, 2048>}, {transform_indices = @transform_1, window_bounds = array<i64: 2048, 80>}, {pipeline_mode = #tpu.pipeline_mode<synchronous>, transform_indices = @transform_2, window_bounds = array<i64: 50048, 80>}]} {
    %eq3A = arith.constant 0 : i32
    %eq3A_0 = arith.cmpi eq, %arg0, %eq3A : i32
    %convert_element_type3A = arith.extui %eq3A_0 : i1 to i32
    %cond3A = arith.constant 0 : i32
    %cond3A_1 = arith.cmpi ne, %convert_element_type3A, %cond3A : i32
    scf.if %cond3A_1 {
      %broadcast_in_dim3A = arith.constant 0.000000e+00 : f32
      %broadcast_in_dim3A_6 = vector.broadcast %broadcast_in_dim3A : f32 to vector<50048x80xf32>
      %swap3A = arith.constant 0 : index
      %swap3A_7 = arith.constant 0 : index
      %swap3A_8 = vector.load %arg3[%swap3A, %swap3A_7] : memref<50048x80xf32, #tpu.memory_space<vmem>>, vector<50048x80xf32>
      tpu.vector_store %arg3[%swap3A, %swap3A_7], %broadcast_in_dim3A_6 {strides = array<i32>} : memref<50048x80xf32, #tpu.memory_space<vmem>>, vector<50048x80xf32>,
    } else {
    }
    %scan3A = arith.constant 0 : i32
    %scan3A_2 = arith.constant 2048 : i32
    %scan3A_3 = arith.addi %scan3A, %scan3A_2 : i32
    %scan3A_4 = arith.constant 4 : i32
    scf.for %scan3A_6 = %scan3A to %scan3A_3 step %scan3A_4  : i32 {
      %get3A = arith.constant 0 : index
      %get3A_7 = arith.constant 0 : index
      %get3A_8 = arith.index_cast %scan3A_6 : i32 to index
      %get3A_9 = memref.load %arg1[%get3A, %get3A_7, %get3A_8] : memref<1x1x2048xi32, #tpu.memory_space<smem>>
      %get3A_10 = arith.index_cast %get3A_9 : i32 to index
      %get3A_11 = arith.constant 0 : index
      %get3A_12 = vector.load %arg3[%get3A_10, %get3A_11] : memref<50048x80xf32, #tpu.memory_space<vmem>>, vector<1x80xf32>
      %get3A_13 = arith.index_cast %scan3A_6 : i32 to index
      %get3A_14 = arith.constant 0 : index
      %get3A_15 = vector.load %arg2[%get3A_13, %get3A_14] : memref<2048x80xf32, #tpu.memory_space<vmem>>, vector<1x80xf32>
      %add3A = arith.addf %get3A_12, %get3A_15 : vector<1x80xf32>
      %swap3A = arith.index_cast %get3A_9 : i32 to index
      %swap3A_16 = arith.constant 0 : index
      %swap3A_17 = vector.load %arg3[%swap3A, %swap3A_16] : memref<50048x80xf32, #tpu.memory_space<vmem>>, vector<1x80xf32>
      tpu.vector_store %arg3[%swap3A, %swap3A_16], %add3A {strides = array<i32>} : memref<50048x80xf32, #tpu.memory_space<vmem>>, vector<1x80xf32>,
      %scan3A_18 = arith.constant 1 : i32
      %scan3A_19 = arith.addi %scan3A_6, %scan3A_18 : i32
      %get3A_20 = arith.constant 0 : index
      %get3A_21 = arith.constant 0 : index
      %get3A_22 = arith.index_cast %scan3A_19 : i32 to index
      %get3A_23 = memref.load %arg1[%get3A_20, %get3A_21, %get3A_22] : memref<1x1x2048xi32, #tpu.memory_space<smem>>
      %get3A_24 = arith.index_cast %get3A_23 : i32 to index
      %get3A_25 = arith.constant 0 : index
      %get3A_26 = vector.load %arg3[%get3A_24, %get3A_25] : memref<50048x80xf32, #tpu.memory_space<vmem>>, vector<1x80xf32>
      %get3A_27 = arith.index_cast %scan3A_19 : i32 to index
      %get3A_28 = arith.constant 0 : index
      %get3A_29 = vector.load %arg2[%get3A_27, %get3A_28] : memref<2048x80xf32, #tpu.memory_space<vmem>>, vector<1x80xf32>
      %add3A_30 = arith.addf %get3A_26, %get3A_29 : vector<1x80xf32>
      %swap3A_31 = arith.index_cast %get3A_23 : i32 to index
      %swap3A_32 = arith.constant 0 : index
      %swap3A_33 = vector.load %arg3[%swap3A_31, %swap3A_32] : memref<50048x80xf32, #tpu.memory_space<vmem>>, vector<1x80xf32>
      tpu.vector_store %arg3[%swap3A_31, %swap3A_32], %add3A_30 {strides = array<i32>} : memref<50048x80xf32, #tpu.memory_space<vmem>>, vector<1x80xf32>,
      %scan3A_34 = arith.constant 2 : i32
      %scan3A_35 = arith.addi %scan3A_6, %scan3A_34 : i32
      %get3A_36 = arith.constant 0 : index
      %get3A_37 = arith.constant 0 : index
      %get3A_38 = arith.index_cast %scan3A_35 : i32 to index
      %get3A_39 = memref.load %arg1[%get3A_36, %get3A_37, %get3A_38] : memref<1x1x2048xi32, #tpu.memory_space<smem>>
      %get3A_40 = arith.index_cast %get3A_39 : i32 to index
      %get3A_41 = arith.constant 0 : index
      %get3A_42 = vector.load %arg3[%get3A_40, %get3A_41] : memref<50048x80xf32, #tpu.memory_space<vmem>>, vector<1x80xf32>
      %get3A_43 = arith.index_cast %scan3A_35 : i32 to index
      %get3A_44 = arith.constant 0 : index
      %get3A_45 = vector.load %arg2[%get3A_43, %get3A_44] : memref<2048x80xf32, #tpu.memory_space<vmem>>, vector<1x80xf32>
      %add3A_46 = arith.addf %get3A_42, %get3A_45 : vector<1x80xf32>
      %swap3A_47 = arith.index_cast %get3A_39 : i32 to index
      %swap3A_48 = arith.constant 0 : index
      %swap3A_49 = vector.load %arg3[%swap3A_47, %swap3A_48] : memref<50048x80xf32, #tpu.memory_space<vmem>>, vector<1x80xf32>
      tpu.vector_store %arg3[%swap3A_47, %swap3A_48], %add3A_46 {strides = array<i32>} : memref<50048x80xf32, #tpu.memory_space<vmem>>, vector<1x80xf32>,
      %scan3A_50 = arith.constant 3 : i32
      %scan3A_51 = arith.addi %scan3A_6, %scan3A_50 : i32
      %get3A_52 = arith.constant 0 : index
      %get3A_53 = arith.constant 0 : index
      %get3A_54 = arith.index_cast %scan3A_51 : i32 to index
      %get3A_55 = memref.load %arg1[%get3A_52, %get3A_53, %get3A_54] : memref<1x1x2048xi32, #tpu.memory_space<smem>>
      %get3A_56 = arith.index_cast %get3A_55 : i32 to index
      %get3A_57 = arith.constant 0 : index
      %get3A_58 = vector.load %arg3[%get3A_56, %get3A_57] : memref<50048x80xf32, #tpu.memory_space<vmem>>, vector<1x80xf32>
      %get3A_59 = arith.index_cast %scan3A_51 : i32 to index
      %get3A_60 = arith.constant 0 : index
      %get3A_61 = vector.load %arg2[%get3A_59, %get3A_60] : memref<2048x80xf32, #tpu.memory_space<vmem>>, vector<1x80xf32>
      %add3A_62 = arith.addf %get3A_58, %get3A_61 : vector<1x80xf32>
      %swap3A_63 = arith.index_cast %get3A_55 : i32 to index
      %swap3A_64 = arith.constant 0 : index
      %swap3A_65 = vector.load %arg3[%swap3A_63, %swap3A_64] : memref<50048x80xf32, #tpu.memory_space<vmem>>, vector<1x80xf32>
      tpu.vector_store %arg3[%swap3A_63, %swap3A_64], %add3A_62 {strides = array<i32>} : memref<50048x80xf32, #tpu.memory_space<vmem>>, vector<1x80xf32>,
    }
    %scan3A_5 = arith.constant 2048 : i32
    return
  }
  func.func @transform_0(%arg0: i32) -> (i32, i32, i32) {
    %c0_i32 = arith.constant 0 : i32
    %c0_i32_0 = arith.constant 0 : i32
    %c0_i32_1 = arith.constant 0 : i32
    return %arg0, %c0_i32, %c0_i32_0 : i32, i32, i32
  }
  func.func @transform_1(%arg0: i32) -> (i32, i32) {
    %c0_i32 = arith.constant 0 : i32
    %c0_i32_0 = arith.constant 0 : i32
    return %arg0, %c0_i32 : i32, i32
  }
  func.func @transform_2(%arg0: i32) -> (i32, i32) {
    %c0_i32 = arith.constant 0 : i32
    %c0_i32_0 = arith.constant 0 : i32
    %c0_i32_1 = arith.constant 0 : i32
    return %c0_i32, %c0_i32_0 : i32, i32
  }
}

module attributes {stable_mosaic.version = 14 : i64} {
  func.func @_node_kernel(%arg0: i32, %arg1: memref<1000x400xf32, #tpu.memory_space<vmem>>, %arg2: memref<400x1920xf32, #tpu.memory_space<vmem>>, %arg3: memref<1000x1xi32, #tpu.memory_space<vmem>>, %arg4: memref<5x1920xf32, #tpu.memory_space<vmem>>, %arg5: memref<1000x1920xf32, #tpu.memory_space<vmem>>) attributes {dimension_semantics = [#tpu.dimension_semantics<arbitrary>], iteration_bounds = array<i64: 10>, scalar_prefetch = 0 : i64, scratch_operands = 0 : i64, tpu.core_type = #tpu.core_type<tc>, window_params = [{transform_indices = @transform_0, window_bounds = array<i64: 1000, 400>}, {pipeline_mode = #tpu.pipeline_mode<synchronous>, transform_indices = @transform_1, window_bounds = array<i64: 400, 1920>}, {transform_indices = @transform_2, window_bounds = array<i64: 1000, 1>}, {pipeline_mode = #tpu.pipeline_mode<synchronous>, transform_indices = @transform_3, window_bounds = array<i64: 5, 1920>}, {transform_indices = @transform_4, window_bounds = array<i64: 1000, 1920>}]} {
    %get3A = arith.constant 0 : index
    %get3A_0 = arith.constant 0 : index
    %get3A_1 = vector.load %arg1[%get3A, %get3A_0] : memref<1000x400xf32, #tpu.memory_space<vmem>>, vector<1000x400xf32>
    %get3A_2 = arith.constant 0 : index
    %get3A_3 = arith.constant 0 : index
    %get3A_4 = vector.load %arg2[%get3A_2, %get3A_3] : memref<400x1920xf32, #tpu.memory_space<vmem>>, vector<400x1920xf32>
    %dot_general3A = arith.constant dense<0.000000e+00> : vector<1000x1920xf32>
    %dot_general3A_5 = tpu.matmul %get3A_1, %get3A_4, %dot_general3A {dimension_numbers = #tpu.dot_dimension_numbers<[1], [0], [0], [1], [0, 0, 1, 1], [], []>, transpose_lhs_hint = false} : vector<1000x400xf32>, vector<400x1920xf32>, vector<1000x1920xf32> -> vector<1000x1920xf32>
    %get3A_6 = arith.constant 0 : index
    %get3A_7 = arith.constant 0 : index
    %get3A_8 = vector.load %arg3[%get3A_6, %get3A_7] : memref<1000x1xi32, #tpu.memory_space<vmem>>, vector<1000x1xi32>
    %get3A_9 = arith.constant 0 : index
    %get3A_10 = arith.constant 0 : index
    %get3A_11 = vector.load %arg4[%get3A_9, %get3A_10] : memref<5x1920xf32, #tpu.memory_space<vmem>>, vector<5x1920xf32>
    %broadcast_in_dim3A = arith.constant 0.000000e+00 : f32
    %broadcast_in_dim3A_12 = vector.broadcast %broadcast_in_dim3A : f32 to vector<1000x1920xf32>
    %eq3A = arith.constant 1 : i32
    %eq3A_13 = vector.broadcast %eq3A : i32 to vector<1000x1xi32>
    %eq3A_14 = arith.cmpi eq, %get3A_8, %eq3A_13 : vector<1000x1xi32>
    %convert_element_type3A = arith.extui %eq3A_14 : vector<1000x1xi1> to vector<1000x1xi32>
    %convert_element_type3A_15 = arith.sitofp %convert_element_type3A : vector<1000x1xi32> to vector<1000x1xf32>
    %slice3A = vector.extract_strided_slice %get3A_11 {offsets = [0, 0], sizes = [1, 1920], strides = [1, 1]} : vector<5x1920xf32> to vector<1x1920xf32>
    %mul3A = vector.broadcast %convert_element_type3A_15 : vector<1000x1xf32> to vector<1000x1920xf32>
    %mul3A_16 = vector.broadcast %slice3A : vector<1x1920xf32> to vector<1000x1920xf32>
    %mul3A_17 = arith.mulf %mul3A, %mul3A_16 : vector<1000x1920xf32>
    %add3A = arith.addf %broadcast_in_dim3A_12, %mul3A_17 : vector<1000x1920xf32>
    %eq3A_18 = arith.constant 6 : i32
    %eq3A_19 = vector.broadcast %eq3A_18 : i32 to vector<1000x1xi32>
    %eq3A_20 = arith.cmpi eq, %get3A_8, %eq3A_19 : vector<1000x1xi32>
    %convert_element_type3A_21 = arith.extui %eq3A_20 : vector<1000x1xi1> to vector<1000x1xi32>
    %convert_element_type3A_22 = arith.sitofp %convert_element_type3A_21 : vector<1000x1xi32> to vector<1000x1xf32>
    %slice3A_23 = vector.extract_strided_slice %get3A_11 {offsets = [1, 0], sizes = [1, 1920], strides = [1, 1]} : vector<5x1920xf32> to vector<1x1920xf32>
    %mul3A_24 = vector.broadcast %convert_element_type3A_22 : vector<1000x1xf32> to vector<1000x1920xf32>
    %mul3A_25 = vector.broadcast %slice3A_23 : vector<1x1920xf32> to vector<1000x1920xf32>
    %mul3A_26 = arith.mulf %mul3A_24, %mul3A_25 : vector<1000x1920xf32>
    %add3A_27 = arith.addf %add3A, %mul3A_26 : vector<1000x1920xf32>
    %eq3A_28 = arith.constant 7 : i32
    %eq3A_29 = vector.broadcast %eq3A_28 : i32 to vector<1000x1xi32>
    %eq3A_30 = arith.cmpi eq, %get3A_8, %eq3A_29 : vector<1000x1xi32>
    %convert_element_type3A_31 = arith.extui %eq3A_30 : vector<1000x1xi1> to vector<1000x1xi32>
    %convert_element_type3A_32 = arith.sitofp %convert_element_type3A_31 : vector<1000x1xi32> to vector<1000x1xf32>
    %slice3A_33 = vector.extract_strided_slice %get3A_11 {offsets = [2, 0], sizes = [1, 1920], strides = [1, 1]} : vector<5x1920xf32> to vector<1x1920xf32>
    %mul3A_34 = vector.broadcast %convert_element_type3A_32 : vector<1000x1xf32> to vector<1000x1920xf32>
    %mul3A_35 = vector.broadcast %slice3A_33 : vector<1x1920xf32> to vector<1000x1920xf32>
    %mul3A_36 = arith.mulf %mul3A_34, %mul3A_35 : vector<1000x1920xf32>
    %add3A_37 = arith.addf %add3A_27, %mul3A_36 : vector<1000x1920xf32>
    %eq3A_38 = arith.constant 8 : i32
    %eq3A_39 = vector.broadcast %eq3A_38 : i32 to vector<1000x1xi32>
    %eq3A_40 = arith.cmpi eq, %get3A_8, %eq3A_39 : vector<1000x1xi32>
    %convert_element_type3A_41 = arith.extui %eq3A_40 : vector<1000x1xi1> to vector<1000x1xi32>
    %convert_element_type3A_42 = arith.sitofp %convert_element_type3A_41 : vector<1000x1xi32> to vector<1000x1xf32>
    %slice3A_43 = vector.extract_strided_slice %get3A_11 {offsets = [3, 0], sizes = [1, 1920], strides = [1, 1]} : vector<5x1920xf32> to vector<1x1920xf32>
    %mul3A_44 = vector.broadcast %convert_element_type3A_42 : vector<1000x1xf32> to vector<1000x1920xf32>
    %mul3A_45 = vector.broadcast %slice3A_43 : vector<1x1920xf32> to vector<1000x1920xf32>
    %mul3A_46 = arith.mulf %mul3A_44, %mul3A_45 : vector<1000x1920xf32>
    %add3A_47 = arith.addf %add3A_37, %mul3A_46 : vector<1000x1920xf32>
    %eq3A_48 = arith.constant 9 : i32
    %eq3A_49 = vector.broadcast %eq3A_48 : i32 to vector<1000x1xi32>
    %eq3A_50 = arith.cmpi eq, %get3A_8, %eq3A_49 : vector<1000x1xi32>
    %convert_element_type3A_51 = arith.extui %eq3A_50 : vector<1000x1xi1> to vector<1000x1xi32>
    %convert_element_type3A_52 = arith.sitofp %convert_element_type3A_51 : vector<1000x1xi32> to vector<1000x1xf32>
    %slice3A_53 = vector.extract_strided_slice %get3A_11 {offsets = [4, 0], sizes = [1, 1920], strides = [1, 1]} : vector<5x1920xf32> to vector<1x1920xf32>
    %mul3A_54 = vector.broadcast %convert_element_type3A_52 : vector<1000x1xf32> to vector<1000x1920xf32>
    %mul3A_55 = vector.broadcast %slice3A_53 : vector<1x1920xf32> to vector<1000x1920xf32>
    %mul3A_56 = arith.mulf %mul3A_54, %mul3A_55 : vector<1000x1920xf32>
    %add3A_57 = arith.addf %add3A_47, %mul3A_56 : vector<1000x1920xf32>
    %mul3A_58 = arith.mulf %dot_general3A_5, %add3A_57 : vector<1000x1920xf32>
    %swap3A = arith.constant 0 : index
    %swap3A_59 = arith.constant 0 : index
    %swap3A_60 = vector.load %arg5[%swap3A, %swap3A_59] : memref<1000x1920xf32, #tpu.memory_space<vmem>>, vector<1000x1920xf32>
    tpu.vector_store %arg5[%swap3A, %swap3A_59], %mul3A_58 {strides = array<i32>} : memref<1000x1920xf32, #tpu.memory_space<vmem>>, vector<1000x1920xf32>,
    return
  }
  func.func @transform_0(%arg0: i32) -> (i32, i32) {
    %c0_i32 = arith.constant 0 : i32
    %c0_i32_0 = arith.constant 0 : i32
    return %arg0, %c0_i32 : i32, i32
  }
  func.func @transform_1(%arg0: i32) -> (i32, i32) {
    %c0_i32 = arith.constant 0 : i32
    %c0_i32_0 = arith.constant 0 : i32
    %c0_i32_1 = arith.constant 0 : i32
    return %c0_i32, %c0_i32_0 : i32, i32
  }
  func.func @transform_2(%arg0: i32) -> (i32, i32) {
    %c0_i32 = arith.constant 0 : i32
    %c0_i32_0 = arith.constant 0 : i32
    return %arg0, %c0_i32 : i32, i32
  }
  func.func @transform_3(%arg0: i32) -> (i32, i32) {
    %c0_i32 = arith.constant 0 : i32
    %c0_i32_0 = arith.constant 0 : i32
    %c0_i32_1 = arith.constant 0 : i32
    return %c0_i32, %c0_i32_0 : i32, i32
  }
  func.func @transform_4(%arg0: i32) -> (i32, i32) {
    %c0_i32 = arith.constant 0 : i32
    %c0_i32_0 = arith.constant 0 : i32
    return %arg0, %c0_i32 : i32, i32
  }
}

</mosaic_0001>

<sc_bundles>
// kernel: kernel.6.cloned.1.call-start
scs
__scs_entry_jumppad:
0x0: {  	(pc) =	sbr.rel $0x88, $3  }
0x1: {  	(tag) =	ssettag $0x0;
	lr =	simm.s32 $0x1  }
0x2: {  	[smem:$0x3F99] =	sst lr;
	_ =	strace $0xD0000000  }
0x3: {  	_ = 	snop  }
0x4: {  	_ = 	snop  }
0x5: {  	_ = 	snop  }
0x6: {  	_ = 	snop  }
0x7: {  	_ = 	snop  }
__scs_overlays_trampoline_lowered:
0x8: {  	[smem:$0x3FA8] =	sst s0  }
0x9: {  	[smem:$0x3FA9] =	sst s1  }
0xa: {  	[smem:$0x3FAA] =	sst s2  }
0xb: {  	[smem:$0x3FAB] =	sst s3  }
0xc: {  	[smem:$0x3FAC] =	sst s4  }
0xd: {  	[smem:$0x3FAD] =	sst s5  }
0xe: {  	[smem:$0x3FAE] =	sst s6  }
0xf: {  	[smem:$0x3FAF] =	sst s7  }
0x10: {  	[smem:$0x3FB0] =	sst s8  }
0x11: {  	[smem:$0x3FB1] =	sst s9;
	s0 =	simm.s32 @!p0 $0x0  }
0x12: {  	s1 =	sld [smem:$0x3F97];
	s0 =	simm.s32 @p0 $0x1  }
0x13: {  	[smem:$0x3FB2] =	sst s0;
	s0 =	simm.s32 @!p1 $0x0  }
0x14: {  	s2 =	sld [smem:$0x3F96];
	s0 =	simm.s32 @p1 $0x1  }
0x15: {  	[smem:$0x3FB3] =	sst s0;
	s0 =	simm.s32 @!p2 $0x0  }
0x16: {  	s3 =	sld [smem:$0x3FDB];
	s0 =	simm.s32 @p2 $0x1  }
0x17: {  	s4 =	simm.s32 $0x1BF5;
	[smem:$0x3FB5] =	sst s0  }
0x18: {  	s0 =	sld [smem:$0x3F98];
	_ =	swait.ge [sflag:s4], $0x0  }
0x19: {  	s7 =	sld [smem:$0x3F99]  }
0x1a: {  	s8 =	sadd.s32 $0xFFFFE003, lr  }
0x1b: {  	s9 =	sadd.s32 $0xFFFFFEF7, lr;
	s5 =	simm.s32 $0xFFFFFFFF;
	p2 =	slt.u32 s8, $0xFFFFF086  }
0x1c: {  	p1 =	slt.u32 s9, $0xF7A;
	s5 =	simm.s32 @!p2 $0x0  }
0x1d: {  	s5 =	simm.s32 @p1 $0x1;
	p0 =	seq.s32 s7, s2  }
0x1e: {  	s7 =	smul.u32 @!p0 $0xF7A, s2;
	p2 =	seq.s32 @!p0 s5, $0x0  }
0x1f: {  	s9 =	smul.u32 $0xF7A, s1;
	s8 =	simm.s32 @!p0 $0x1BF5;
	p2 =	por !p2, p0  }
0x20: {  	[sflag:s8] =	ssyncset.s32 @!p0 $0xFFFFF086;
	s6 =	sadd.s32 @!p0 s3, s7;
	s7 =	simm.s32 @!p0 $0x108  }
0x21: {  	s3 =	sadd.s32 s3, s9;
	s6 =	sadd.s32 @!p0 $0x88, s6;
	s7 =	simm.s32 @p2 $0x1082  }
0x22: {  	[simem:s7], [sflag:s8] =	dma.local @!p0 [hbm:s6], $0xF7A  }
0x23: {  	s9 =	sor.u32 $0xD0000000, s2;
	s6 =	simm.s32 $0x108;
	_ =	swait.ge @!p0 [sflag:s8], $0x0  }
0x24: {  	s3 =	sadd.s32 $0x88, s3;
	s6 =	simm.s32 @!p1 $0x1082;
	[sflag:s4] =	ssyncset.s32 $0xFFFFF086  }
0x25: {  	[simem:s6], [sflag:s4] =	dma.local [hbm:s3], $0xF7A  }
0x26: {  	[smem:$0x3F99] =	sst s1;
	(tag) =	ssettag s2;
	_ =	strace s9  }
0x27: {  	s1 =	sld [smem:$0x3FA9]  }
0x28: {  	s2 =	sld [smem:$0x3FAA]  }
0x29: {  	s4 =	sld [smem:$0x3FAC]  }
0x2a: {  	p0 =	seq.s32 s5, $0x0;
	s5 =	sld [smem:$0x3FAD]  }
0x2b: {  	s6 =	sld [smem:$0x3FAE]  }
0x2c: {  	s7 =	sld [smem:$0x3FAF]  }
0x2d: {  	s3 =	simm.s32 $0x108;
	s8 =	sld [smem:$0x3FB0]  }
0x2e: {  	s3 =	simm.s32 @!p0 $0x1082;
	s9 =	sld [smem:$0x3FB1]  }
0x2f: {  	lr =	sadd.s32 s0, s3;
	s0 =	sld [smem:$0x3FA8]  }
0x30: {  	s3 =	sld [smem:$0x3FAB]  }
0x31: {  	[smem:$0x3FB4] =	sst s10  }
0x32: {  	s10 =	sld [smem:$0x3FB2];
	_ =	sdelay $0x3  }
0x33: {  	p0 =	seq.s32 s10, $0x1;
	s10 =	sld [smem:$0x3FB4];
	_ =	sdelay $0x3  }
0x34: {  	[smem:$0x3FB4] =	sst s10  }
0x35: {  	s10 =	sld [smem:$0x3FB3];
	_ =	sdelay $0x3  }
0x36: {  	p1 =	seq.s32 s10, $0x1;
	s10 =	sld [smem:$0x3FB4];
	_ =	sdelay $0x3  }
0x37: {  	[smem:$0x3FB4] =	sst s10  }
0x38: {  	s10 =	sld [smem:$0x3FB5]  }
0x39: {  	_ = 	snop;
	(pc) =	sbr.ind lr, $3  }
0x3a: {  	_ = 	snop  }
0x3b: {  	_ = 	snop  }
0x3c: {  	p2 =	seq.s32 s10, $0x1;
	s10 =	sld [smem:$0x3FB4]  }
0x3d: {  	_ =	shalt  }
0x3e: {  	_ =	shalt  }
0x3f: {  	_ =	shalt  }
0x40: {  	_ =	shalt  }
0x41: {  	_ =	shalt  }
0x42: {  	_ =	shalt  }
0x43: {  	_ =	shalt  }
0x44: {  	_ =	shalt  }
0x45: {  	_ =	shalt  }
0x46: {  	_ =	shalt  }
0x47: {  	_ =	shalt  }
0x48: {  	_ =	shalt  }
0x49: {  	_ =	shalt  }
0x4a: {  	_ =	shalt  }
0x4b: {  	_ =	shalt  }
0x4c: {  	_ =	shalt  }
0x4d: {  	_ =	shalt  }
0x4e: {  	_ =	shalt  }
0x4f: {  	_ =	shalt  }
0x50: {  	_ =	shalt  }
0x51: {  	_ =	shalt  }
0x52: {  	_ =	shalt  }
0x53: {  	_ =	shalt  }
0x54: {  	_ =	shalt  }
0x55: {  	_ =	shalt  }
0x56: {  	_ =	shalt  }
0x57: {  	_ =	shalt  }
0x58: {  	_ =	shalt  }
0x59: {  	_ =	shalt  }
0x5a: {  	_ =	shalt  }
0x5b: {  	_ =	shalt  }
0x5c: {  	_ =	shalt  }
0x5d: {  	_ =	shalt  }
0x5e: {  	_ =	shalt  }
0x5f: {  	_ =	shalt  }
0x60: {  	_ =	shalt  }
0x61: {  	_ =	shalt  }
0x62: {  	_ =	shalt  }
0x63: {  	_ =	shalt  }
0x64: {  	_ =	shalt  }
0x65: {  	_ =	shalt  }
0x66: {  	_ =	shalt  }
0x67: {  	_ =	shalt  }
0x68: {  	_ =	shalt  }
0x69: {  	_ =	shalt  }
0x6a: {  	_ =	shalt  }
0x6b: {  	_ =	shalt  }
0x6c: {  	_ =	shalt  }
0x6d: {  	_ =	shalt  }
0x6e: {  	_ =	shalt  }
0x6f: {  	_ =	shalt  }
0x70: {  	_ =	shalt  }
0x71: {  	_ =	shalt  }
0x72: {  	_ =	shalt  }
0x73: {  	_ =	shalt  }
0x74: {  	_ =	shalt  }
0x75: {  	_ =	shalt  }
0x76: {  	_ =	shalt  }
0x77: {  	_ =	shalt  }
0x78: {  	_ =	shalt  }
0x79: {  	_ =	shalt  }
0x7a: {  	_ =	shalt  }
0x7b: {  	_ =	shalt  }
0x7c: {  	_ =	shalt  }
0x7d: {  	_ =	shalt  }
0x7e: {  	_ =	shalt  }
0x7f: {  	_ =	shalt  }
0x80: {  	_ =	shalt  }
0x81: {  	_ =	shalt  }
0x82: {  	_ =	shalt  }
0x83: {  	_ =	shalt  }
0x84: {  	_ =	shalt  }
0x85: {  	_ =	shalt  }
0x86: {  	_ =	shalt  }
0x87: {  	_ =	shalt  }
.Lfunc_end0:
.L_simem_size_0:
called_computation_lowered:
.L_overlay_start_0:
0x88: {  	s2 =	sld [smem:$0x3FD9]  }
0x89: {  	s3 =	sld [smem:$0x3FFE];
	_ =	sdelay $0x1  }
0x8a: {  	s1 =	srdreg.scid  }
0x8b: {  	s0 =	sand.u32 $0x1, s1  }
0x8c: {  	s14 =	sshll.u32 s0, $0xA;
	s2 =	sadd.s32 s3, s2  }
0x8d: {  	s2 =	sadd.s32 s2, s14  }
0x8e: {  	[smem:$0x3FC0] =	sst s2  }
0x8f: {  	_ = 	snop  }
0x90: {  	s2 =	sld [smem:$0x3FD0];
	_ =	sdelay $0x2  }
0x91: {  	s4 =	simm.s32 $0xA;
	s5 =	simm.s32 $0x10;
	s15 =	sld [smem:$0x3FC9]  }
0x92: {  	[smem:s5], [sflag:s4] =	dma.local [hbm:s2], $0x1  }
0x93: {  	_ =	swait.eq [sflag:s4], $0x1  }
0x94: {  	[sflag:s4] =	ssyncset.done $0x0  }
0x95: {  	[sflag:s4] =	ssyncadd.s32 $0xFFFFFFFF  }
0x96: {  	s16 =	sld [smem:$0x11];
	(tm) =	ssettm $0x1  }
0x97: {  	s17 =	sld [smem:$0x3FFB];
	_ =	sdelay $0x3  }
0x98: {  	_ =	strace s17  }
0x99: {  	s4 =	sld [smem:$0x3FFC];
	_ =	sdelay $0x3  }
0x9a: {  	_ =	strace s4  }
0x9b: {  	s4 =	sld [smem:$0x3FFD];
	_ =	sdelay $0x3  }
0x9c: {  	_ =	strace s4  }
0x9d: {  	_ =	strace $0x8FFFFFFF  }
0x9e: {  	s18 =	sld [smem:$0x3FDB];
	_ =	sdelay $0x1  }
0x9f: {  	s19 =	simm.s32 $_scs_section_size  }
0xa0: {  	s6 =	simm.s32 $_size__tile_overlayer_lowered;
	s7 =	simm.s32 $_tile_overlayer_lowered  }
0xa1: {  	s22 =	simm.s32 $0x1BFF;
	s21 =	sshll.u32 s7, $0x1;
	s4 =	sadd.s32 s19, s18  }
0xa2: {  	s8 =	simm.s32 $0x0;
	s20 =	sshll.u32 s6, $0x1;
	s6 =	sadd.s32 s21, s4  }
0xa3: {  	[timem:s8], [sflag:s22] =	dma.local [hbm:s6], s20  }
0xa4: {  	_ =	swait.ge [sflag:s22], s20  }
0xa5: {  	s5 =	ssub.s32 $0x0, s20;
	[sflag:s22] =	ssyncset.done $0x0  }
0xa6: {  	[sflag:s22] =	ssyncadd.s32 s5;
	_ =	sdelay $0x1  }
0xa7: {  	s23 =	simm.s32 $0x1B8B  }
0xa8: {  	_ =	swait.ge [sflag:s23], $0x1  }
0xa9: {  	[sflag:s23] =	ssyncset.done $0x0  }
0xaa: {  	s25 =	simm.s32 $0x1B8E;
	s24 =	sld [smem:$0x3FFE];
	[sflag:s23] =	ssyncadd.s32 $0xFFFFFFFF  }
0xab: {  	s26 =	simm.s32 $execute0_lowered;
	[smem:$0x3FD2] =	sst s25  }
0xac: {  	s6 =	sshll.u32 s26, $0x1;
	_ =	strace $0x80000046;
	[dreg:$0x1] =	wrdreg $0xFFFFFFFF  }
0xad: {  	s28 =	simm.s32 $_size_execute0_lowered;
	s4 =	sadd.s32 s4, s6;
	[dreg:$0x0] =	wrdreg $0x0  }
0xae: {  	s6 =	sshll.u32 s28, $0x1;
	[dreg:$0x2] =	wrdreg s4  }
0xaf: {  	[dreg:$0x3] =	wrdreg s6  }
0xb0: {  	[dreg:$0x4] =	wrdreg $0xC0  }
0xb1: {  	_ =	task [dreg:s8], $0x5FFFF  }
0xb2: {  	[dreg:$0x1] =	wrdreg $0xFFFFFFFF  }
0xb3: {  	[dreg:$0x0] =	wrdreg $0x60  }
0xb4: {  	[dreg:$0x2] =	wrdreg s24  }
0xb5: {  	[dreg:$0x3] =	wrdreg s15  }
0xb6: {  	[dreg:$0x4] =	wrdreg s16  }
0xb7: {  	[dreg:$0x5] =	wrdreg $0x9  }
0xb8: {  	_ =	task.clear_ibuf [dreg:s8], $0x6FFFF;
	_ =	strace $0x90000046  }
0xb9: {  	s29 =	simm.s32 $0x9;
	_ =	strace $0x80000048  }
0xba: {  	_ =	swait.ge [sflag:s29], $0x1  }
0xbb: {  	[sflag:s29] =	ssyncadd.s32 $0xFFFFFFFF  }
0xbc: {  	_ =	strace $0x90000048  }
0xbd: {  	_ =	sfence  }
0xbe: {  	s30 =	sld [smem:$0x0];
	_ =	sdelay $0x2  }
0xbf: {  	s31 =	sshll.u32 s1, $0xD;
	s1 =	sshrl.u32 s1, $0x2  }
0xc0: {  	s3 =	sand.u32 $0x4000, s31;
	s1 =	sadd.s32 s1, s30  }
0xc1: {  	s0 =	sor.u32 s3, s0;
	s1 =	sshll.u32 s1, $0x11  }
0xc2: {  	s0 =	sor.u32 s1, s0  }
0xc3: {  	s0 =	sadd.s32 $0x8F2B, s0  }
0xc4: {  	[sflag:s0] =	ssyncadd.remote.s32 $0x1  }
0xc5: {  	_ =	sfence.sel $0xFFFF  }
0xc6: {  	[dreg:$0x0] =	wrdreg $0xFFFFFFFF;
	(pc) =	sbr.abs _section_cstart, $3  }
0xc7: {  	[dreg:$0x1] =	wrdreg $0xFFFFFFFF  }
0xc8: {  	_ =	task.clear_ibuf [dreg:s8], $0x2FFFF;
	_ =	strace $0x9FFFFFFF  }
0xc9: {  	(tm) =	ssettm $0x7FFFFFFF  }
tec
execute0_lowered:
.L_overlay_start_1:
0x0: {  	(tag) =	ssettag $0x1  }
0x1: {  	s4 =	rddreg [dreg:$0x0]  }
0x2: {  	s2 =	rddreg [dreg:$0x1]  }
0x3: {  	s1 =	srdreg.scid;
	s0 =	stileid.u32  }
0x4: {  	s6 =	rddreg [dreg:$0x2];
	s3 =	simm.s32 $0x0;
	s11 =	simm.s32 $0x80  }
0x5: {  	s12 =	simm.s32 $0x400;
	s13 =	simm.s32 $0x3B80;
	s14 =	simm.s32 $0x0  }
0x6: {  	s5 =	sand.u32 $0x1, s1;
	s7 =	sshll.u32 s0, $0x1;
	s9 =	sshrl.u32 s0, $0x2  }
0x7: {  	s1 =	rddreg [dreg:$0x3];
	s7 =	sor.u32 s5, s7;
	s9 =	smul.u32 $0xA000, s9  }
0x8: {  	[smem:$0x7FF] =	sst s3;
	s5 =	ssub.s32 $0x2, s5;
	s8 =	smul.u32 $0x278, s7  }
0x9: {  	_ =	strace $0x80000047;
	s7 =	sshll.u32 s7, $0x7;
	s10 =	sshrl.u32 s5, $0x1  }
0xa: {  	s7 =	sand.u32 $0x380, s7;
	s10 =	ssub.s32 s5, s10;
	s8 =	sadd.s32 s8, s4  }
0xb: {  	s7 =	sor.u32 s9, s7;
	s9 =	simm.s32 $0x2780;
	s4 =	sadd.s32 $0x7000, s8  }
0xc: {  	v1 =	vlaneseq.u32;
	s5 =	sadd.s32 $0x2000, s8;
	s7 =	sshrl.u32 s7, $0x3;
	s8 =	simm.s32 $0x1  }
0xd: {  	v0 =	vimm.s32 $0x4;
	v1 =	vor.u32 $0xC350, v1;
	s6 =	sadd.s32 s6, s7;
	s7 =	smax.u32 s10, $0x1;
	s10 =	simm.s32 $0x4F80  }
.LBB2_1:
0xe: {  	[tilespmem:s3], [sflag:$0x1] =	stream.linear.gather [hbm4b:s2+s3], $0x2780, $0x38;
	[tilespmem:$0x6380] =	vst v63  }
0xf: {  	_ =	swait.ge [sflag:s8], $0x2780  }
0x10: {  	[sflag:s8] =	ssyncset.done $0x0  }
0x11: {  	[sflag:s8] =	ssyncadd.s32 $0xFFFFD880  }
0x12: {  	[tilespmem:s9], [sflag:$0x1] =	stream.linear.gather [hbm4b:s4+s3], $0x13C0, $0x38;
	[tilespmem:$0x6380] =	vst v63  }
0x13: {  	_ =	swait.ge [sflag:s8], $0x13C0  }
0x14: {  	[sflag:s8] =	ssyncset.done $0x0  }
0x15: {  	[sflag:s8] =	ssyncadd.s32 $0xFFFFEC40  }
0x16: {  	[tilespmem:s10], [sflag:$0x1] =	stream.linear.gather [hbm4b:s5+s3], $0x13C0, $0x38;
	[tilespmem:$0x6380] =	vst v63  }
0x17: {  	_ =	swait.ge [sflag:s8], $0x13C0  }
0x18: {  	[sflag:s8] =	ssyncset.done $0x0  }
0x19: {  	s16 =	simm.s32 $0x0;
	[sflag:s8] =	ssyncadd.s32 $0xFFFFEC40  }
0x1a: {  	v2 =	vld [tilespmem:s16+$0x4F80];
	_ =	sdelay $0x7  }
0x1b: {  	v3 =	vld.idx.msk [tilespmem:v2+s3+$0x0], $0xffff;
	_ =	sdelay $0x2  }
0x1c: {  	v2 =	vld [tilespmem:s16+$0x2780]  }
0x1d: {  	s15 =	simm.s32 $0x10;
	s17 =	simm.s32 $0x80  }
.LBB2_2:
0x1e: {  	p0 =	sne.s32 s17, $0x4EC0;
	v4 =	vld [tilespmem:s15+$0x4F80];
	vm0 =	veq.s32 v3, $0x8  }
0x1f: {  	vm1 =	veq.s32 v3, $0x7;
	v5 =	vsel vm0, $0x3, v0  }
0x20: {  	vm0 =	veq.s32 v3, $0x6;
	v5 =	vsel vm1, $0x2, v5  }
0x21: {  	vm1 =	veq.s32 v3, $0x1;
	v3 =	vsel vm0, $0x1, v5;
	v5 =	vmul.u32 $0x5, v2  }
0x22: {  	v3 =	vsel vm1, $0x0, v3  }
0x23: {  	vm0 =	vlt.u32 v2, $0x2710;
	v2 =	vadd.s32 v5, v3  }
0x24: {  	v2 =	vsel vm0, v2, v1  }
0x25: {  	[tilespmem:s16+$0x3B80] =	vst v2;
	s16 =	smov.u32 s15  }
0x26: {  	v3 =	vld.idx.msk [tilespmem:v4+s3+$0x0], $0xffff  }
.Ltmp0:
0x27: {  	(pc) =	sbr.rel @p0 .LBB2_2-.Ltmp0, $3  }
0x28: {  	_ =	sdelay $0x1  }
0x29: {  	v2 =	vld [tilespmem:s16+$0x2780]  }
0x2a: {  	s15 =	sshra.s32 s17, $0x2;
	s17 =	sadd.s32 $0x40, s17  }
0x2b: {  	v4 =	vld [tilespmem:s15+$0x4F80];
	vm0 =	veq.s32 v3, $0x8  }
0x2c: {  	vm1 =	veq.s32 v3, $0x7;
	v5 =	vsel vm0, $0x3, v0  }
0x2d: {  	vm8 =	veq.s32 v3, $0x6;
	v5 =	vsel vm1, $0x2, v5  }
0x2e: {  	vm9 =	veq.s32 v3, $0x1;
	v3 =	vsel vm8, $0x1, v5;
	v61 =	vmul.u32 $0x5, v2  }
0x2f: {  	v3 =	vsel vm9, $0x0, v3  }
0x30: {  	vm10 =	vlt.u32 v2, $0x2710;
	v2 =	vadd.s32 v61, v3  }
0x31: {  	v2 =	vsel vm10, v2, v1  }
0x32: {  	[tilespmem:s16+$0x3B80] =	vst v2  }
0x33: {  	v2 =	vld.idx.msk [tilespmem:v4+s3+$0x0], $0xffff;
	_ =	sdelay $0x2  }
0x34: {  	v3 =	vld [tilespmem:s15+$0x2780];
	_ =	sdelay $0x1  }
0x35: {  	vm11 =	veq.s32 v2, $0x8  }
0x36: {  	vm12 =	veq.s32 v2, $0x7;
	v62 =	vsel vm11, $0x3, v0  }
0x37: {  	vm13 =	veq.s32 v2, $0x6;
	v4 =	vsel vm12, $0x2, v62  }
0x38: {  	vm14 =	veq.s32 v2, $0x1;
	v63 =	vmul.u32 $0x5, v3;
	v2 =	vsel vm13, $0x1, v4  }
0x39: {  	v2 =	vsel vm14, $0x0, v2  }
0x3a: {  	s14 =	sadd.s32 $0x1, s14;
	vm15 =	vlt.u32 v3, $0x2710;
	v2 =	vadd.s32 v63, v2  }
0x3b: {  	p0 =	sne.s32 s14, s7;
	v2 =	vsel vm15, v2, v1  }
.Ltmp1:
0x3c: {  	[tilespmem:s15+$0x3B80] =	vst v2;
	(pc) =	sbr.rel @p0 .LBB2_1-.Ltmp1, $4  }
0x3d: {  	[hbm4b:s6+s11] =	stream.strided.scatter [tilespmem:s13], [sflag:$0x1], $0x1400, s12, s11, $0x38;
	[tilespmem:$0x6380] =	vst v63  }
0x3e: {  	_ =	swait.ge [sflag:s8], $0x1400  }
0x3f: {  	[sflag:s8] =	ssyncset.done $0x0  }
0x40: {  	[sflag:s8] =	ssyncadd.s32 $0xFFFFEC00  }
0x41: {  	_ =	sfence.sel $0x180000  }
0x42: {  	[bflag:$0x0] =	sbarrier.arrive $0xFFFF  }
0x43: {  	p0 =	sne.s32 s0, $0x0;
	_ =	strace $0x90000047  }
0x44: {  	s0 =	sadd.s32 @!p0 $0x100000, s1;
	[bflag:$0x2] =	sbarrier.arrive $0xFFFF  }
0x45: {  	[sflag:s0] =	ssyncadd.tile.s32 @!p0 $0x1;
	_ =	shalt  }
.Lfunc_end2:
_tile_overlayer_lowered:
.L_overlay_start_2:
0x46: {  	(tag) =	ssettag $0x2  }
0x47: {  	s0 =	rddreg [dreg:$0x0];
	s2 =	stileid.u32  }
0x48: {  	s1 =	rddreg [dreg:$0x1];
	p0 =	sne.s32 s2, $0x0  }
0x49: {  	s3 =	rddreg [dreg:$0x2];
	[bflag:$0x3] =	sbarrier.arrive $0xFFFF;
	s2 =	simm.s32 @!p0 $0x1C01  }
0x4a: {  	[timem:s3], [sflag:s2] =	dma.local @!p0 [hbm:s0], s1  }
0x4b: {  	s0 =	simm.s32 @!p0 $0x1  }
0x4c: {  	_ =	swait.ge @!p0 [sflag:s0], s1  }
0x4d: {  	s1 =	ssub.s32 @!p0 $0x0, s1;
	[sflag:s0] =	ssyncset.done @!p0 $0x0  }
0x4e: {  	[sflag:s0] =	ssyncadd.s32 @!p0 s1  }
0x4f: {  	[bflag:$0x3] =	sbarrier.arrive $0xFFFF  }
0x50: {  	_ =	shalt  }

</sc_bundles>
